<compile_context>
chip_gen: v7x
topology: tpu7x:2x2x1
jax: 0.10.2.dev20260603
libtpu: 0.0.44.dev20260713+nightly
codegen_flags: <defaults>
</compile_context>

<pallas_src>
import functools

import jax
import jax.numpy as jnp
from jax import lax
from jax.experimental import pallas as pl
from jax.experimental.pallas import tpu as pltpu
from jax.experimental.pallas import tpu_sc as plsc

_B = 16
_P = 4096
_D = 192
_NC = 2
_NS = 16
_GROUPS = _D // 8


def _make_sc_kernel():
    mesh = plsc.VectorSubcoreMesh(core_axis_name="c", subcore_axis_name="s")

    @functools.partial(
        pl.kernel,
        mesh=mesh,
        compiler_params=pltpu.CompilerParams(use_tc_tiling_on_sc=True),
        out_type=jax.ShapeDtypeStruct((_B, _D, _P), jnp.float32),
        scratch_types=[
            pltpu.VMEM((8, _P), jnp.float32),
            pltpu.SemaphoreType.DMA,
        ],
    )
    def k(table_hbm, out_hbm, buf, sem):
        wid = lax.axis_index("s") * _NC + lax.axis_index("c")

        @pl.when(wid < _GROUPS)
        def _():
            base = wid * 8
            pltpu.sync_copy(table_hbm.at[pl.ds(base, 8)], buf)
            handles = [
                pltpu.async_copy(buf, out_hbm.at[b, pl.ds(base, 8)], sem)
                for b in range(_B)
            ]
            for h in handles:
                h.wait()

    return k


_sc_broadcast = _make_sc_kernel()


def kernel(x, pos_table):
    del x
    out_t = _sc_broadcast(pos_table.T)
    return jnp.transpose(out_t, (0, 2, 1))

# --- scband reference (transcript-rebuilt; emitter-appended) ---
"""Pipeline reference for scband-positional-encoding-90168543412411 (READ-ONLY COPY).

The authoritative reference and input builder live on the scoring server;
editing this copy changes nothing except your own understanding.
"""

import jax, jax.numpy as jnp
import numpy as np

MAX_LEN = 4096
HIDDEN_DIM = 192


def setup_inputs(seed: int = 0) -> dict:
    key = jax.random.key(seed)
    k1, k2 = jax.random.split(key)
    x = jax.random.normal(k1, (16, HIDDEN_DIM, 32, 32), dtype=jnp.float32)
    # learned positional embedding table (nn.Embedding weight), N(0,1) like torch default
    pos_table = jax.random.normal(k2, (MAX_LEN, HIDDEN_DIM), dtype=jnp.float32)
    return {"x": x, "pos_table": pos_table}


def reference(x, pos_table):
    # Faithful translation of the intended forward:
    #   pos = self.pos_embed.weight.unsqueeze(0).expand(B, -1, -1)
    # i.e. gather the full learned positional table and broadcast over batch.
    B = x.shape[0]
    idx = jnp.arange(pos_table.shape[0])
    pos = jnp.take(pos_table, idx, axis=0)  # embedding lookup over all positions
    pos = jnp.broadcast_to(pos[None, :, :], (B, pos_table.shape[0], pos_table.shape[1]))
    return pos

if __name__ == "__main__":
    import jax
    _d = setup_inputs()
    print(jax.jit(kernel)(*tuple(_d.values())))

</pallas_src>

<mosaic_0001>
#map = affine_map<(d0, d1) -> (0, 0)>
#map1 = affine_map<(d0, d1) -> (0, 0, 0)>
module attributes {stable_mosaic.version = 14 : i64} {
  func.func @k(%arg0: i32, %arg1: i32, %arg2: memref<192x4096xf32, #tpu.memory_space<hbm>>, %arg3: memref<16x192x4096xf32, #tpu.memory_space<hbm>>, %arg4: memref<8x4096xf32, #tpu.memory_space<vmem>>, %arg5: memref<!tpu.dma_semaphore, #tpu.memory_space<semaphore_mem>>) attributes {dimension_semantics = [#tpu.dimension_semantics<core_parallel>, #tpu.dimension_semantics<subcore_parallel>], iteration_bounds = array<i64: 2, 16>, scalar_prefetch = 0 : i64, scratch_operands = 2 : i64, tpu.core_type = #tpu.core_type<sc_vector_subcore>, window_params = [{transform_indices = #map}, {transform_indices = #map1}]} {
    %mul3A = arith.constant 2 : i32
    %mul3A_0 = arith.muli %arg1, %mul3A : i32
    %add3A = arith.addi %mul3A_0, %arg0 : i32
    %lt3A = arith.constant 24 : i32
    %lt3A_1 = arith.cmpi slt, %add3A, %lt3A : i32
    %convert_element_type3A = arith.extui %lt3A_1 : i1 to i32
    %cond3A = arith.constant 0 : i32
    %cond3A_2 = arith.cmpi ne, %convert_element_type3A, %cond3A : i32
    scf.if %cond3A_2 {
      %mul3A_3 = arith.constant 8 : i32
      %mul3A_4 = arith.muli %add3A, %mul3A_3 : i32
      "tpu.region"() ({
        %run_scoped3A = tpu.sem_alloc : memref<!tpu.dma_semaphore, #tpu.memory_space<semaphore_mem>>
        %dma_start3A_227 = arith.constant 0 : i32
        %dma_start3A_228 = tpu.memref_slice %arg2[%mul3A_4, %dma_start3A_227] : memref<192x4096xf32, #tpu.memory_space<hbm>> -> memref<8x4096xf32, #tpu.memory_space<hbm>>
        %dma_start3A_229 = arith.constant 0 : i32
        %dma_start3A_230 = tpu.memref_slice %arg2[%mul3A_4, %dma_start3A_229] : memref<192x4096xf32, #tpu.memory_space<hbm>> -> memref<8x4096xf32, #tpu.memory_space<hbm>>
        tpu.enqueue_dma source(%dma_start3A_230 : memref<8x4096xf32, #tpu.memory_space<hbm>>) target(%arg4 : memref<8x4096xf32, #tpu.memory_space<vmem>>) target_semaphore(%run_scoped3A : memref<!tpu.dma_semaphore, #tpu.memory_space<semaphore_mem>>)
        %dma_wait3A_231 = arith.constant 0 : i32
        %dma_wait3A_232 = tpu.memref_slice %arg2[%mul3A_4, %dma_wait3A_231] : memref<192x4096xf32, #tpu.memory_space<hbm>> -> memref<8x4096xf32, #tpu.memory_space<hbm>>
        %dma_wait3A_233 = arith.constant 0 : i32
        %dma_wait3A_234 = tpu.memref_slice %arg2[%mul3A_4, %dma_wait3A_233] : memref<192x4096xf32, #tpu.memory_space<hbm>> -> memref<8x4096xf32, #tpu.memory_space<hbm>>
        tpu.wait_dma2 semaphore(%run_scoped3A : memref<!tpu.dma_semaphore, #tpu.memory_space<semaphore_mem>>) src(%dma_wait3A_234 : memref<8x4096xf32, #tpu.memory_space<hbm>>) dst(%arg4 : memref<8x4096xf32, #tpu.memory_space<vmem>>)
        tpu.yield
      }) : () -> ()
      %dma_start3A = arith.constant 0 : i32
      %dma_start3A_5 = arith.constant 0 : i32
      %dma_start3A_6 = tpu.memref_slice %arg3[%dma_start3A, %mul3A_4, %dma_start3A_5] : memref<16x192x4096xf32, #tpu.memory_space<hbm>> -> memref<1x8x4096xf32, #tpu.memory_space<hbm>>
      %dma_start3A_7 = tpu.memref_squeeze %dma_start3A_6 : memref<1x8x4096xf32, #tpu.memory_space<hbm>> -> memref<8x4096xf32, #tpu.memory_space<hbm>>
      %dma_start3A_8 = arith.constant 0 : i32
      %dma_start3A_9 = tpu.memref_slice %arg3[%dma_start3A, %mul3A_4, %dma_start3A_8] : memref<16x192x4096xf32, #tpu.memory_space<hbm>> -> memref<1x8x4096xf32, #tpu.memory_space<hbm>>
      %dma_start3A_10 = tpu.memref_squeeze %dma_start3A_9 : memref<1x8x4096xf32, #tpu.memory_space<hbm>> -> memref<8x4096xf32, #tpu.memory_space<hbm>>
      tpu.enqueue_dma source(%arg4 : memref<8x4096xf32, #tpu.memory_space<vmem>>) target(%dma_start3A_10 : memref<8x4096xf32, #tpu.memory_space<hbm>>) target_semaphore(%arg5 : memref<!tpu.dma_semaphore, #tpu.memory_space<semaphore_mem>>)
      %dma_start3A_11 = arith.constant 1 : i32
      %dma_start3A_12 = arith.constant 0 : i32
      %dma_start3A_13 = tpu.memref_slice %arg3[%dma_start3A_11, %mul3A_4, %dma_start3A_12] : memref<16x192x4096xf32, #tpu.memory_space<hbm>> -> memref<1x8x4096xf32, #tpu.memory_space<hbm>>
      %dma_start3A_14 = tpu.memref_squeeze %dma_start3A_13 : memref<1x8x4096xf32, #tpu.memory_space<hbm>> -> memref<8x4096xf32, #tpu.memory_space<hbm>>
      %dma_start3A_15 = arith.constant 0 : i32
      %dma_start3A_16 = tpu.memref_slice %arg3[%dma_start3A_11, %mul3A_4, %dma_start3A_15] : memref<16x192x4096xf32, #tpu.memory_space<hbm>> -> memref<1x8x4096xf32, #tpu.memory_space<hbm>>
      %dma_start3A_17 = tpu.memref_squeeze %dma_start3A_16 : memref<1x8x4096xf32, #tpu.memory_space<hbm>> -> memref<8x4096xf32, #tpu.memory_space<hbm>>
      tpu.enqueue_dma source(%arg4 : memref<8x4096xf32, #tpu.memory_space<vmem>>) target(%dma_start3A_17 : memref<8x4096xf32, #tpu.memory_space<hbm>>) target_semaphore(%arg5 : memref<!tpu.dma_semaphore, #tpu.memory_space<semaphore_mem>>)
      %dma_start3A_18 = arith.constant 2 : i32
      %dma_start3A_19 = arith.constant 0 : i32
      %dma_start3A_20 = tpu.memref_slice %arg3[%dma_start3A_18, %mul3A_4, %dma_start3A_19] : memref<16x192x4096xf32, #tpu.memory_space<hbm>> -> memref<1x8x4096xf32, #tpu.memory_space<hbm>>
      %dma_start3A_21 = tpu.memref_squeeze %dma_start3A_20 : memref<1x8x4096xf32, #tpu.memory_space<hbm>> -> memref<8x4096xf32, #tpu.memory_space<hbm>>
      %dma_start3A_22 = arith.constant 0 : i32
      %dma_start3A_23 = tpu.memref_slice %arg3[%dma_start3A_18, %mul3A_4, %dma_start3A_22] : memref<16x192x4096xf32, #tpu.memory_space<hbm>> -> memref<1x8x4096xf32, #tpu.memory_space<hbm>>
      %dma_start3A_24 = tpu.memref_squeeze %dma_start3A_23 : memref<1x8x4096xf32, #tpu.memory_space<hbm>> -> memref<8x4096xf32, #tpu.memory_space<hbm>>
      tpu.enqueue_dma source(%arg4 : memref<8x4096xf32, #tpu.memory_space<vmem>>) target(%dma_start3A_24 : memref<8x4096xf32, #tpu.memory_space<hbm>>) target_semaphore(%arg5 : memref<!tpu.dma_semaphore, #tpu.memory_space<semaphore_mem>>)
      %dma_start3A_25 = arith.constant 3 : i32
      %dma_start3A_26 = arith.constant 0 : i32
      %dma_start3A_27 = tpu.memref_slice %arg3[%dma_start3A_25, %mul3A_4, %dma_start3A_26] : memref<16x192x4096xf32, #tpu.memory_space<hbm>> -> memref<1x8x4096xf32, #tpu.memory_space<hbm>>
      %dma_start3A_28 = tpu.memref_squeeze %dma_start3A_27 : memref<1x8x4096xf32, #tpu.memory_space<hbm>> -> memref<8x4096xf32, #tpu.memory_space<hbm>>
      %dma_start3A_29 = arith.constant 0 : i32
      %dma_start3A_30 = tpu.memref_slice %arg3[%dma_start3A_25, %mul3A_4, %dma_start3A_29] : memref<16x192x4096xf32, #tpu.memory_space<hbm>> -> memref<1x8x4096xf32, #tpu.memory_space<hbm>>
      %dma_start3A_31 = tpu.memref_squeeze %dma_start3A_30 : memref<1x8x4096xf32, #tpu.memory_space<hbm>> -> memref<8x4096xf32, #tpu.memory_space<hbm>>
      tpu.enqueue_dma source(%arg4 : memref<8x4096xf32, #tpu.memory_space<vmem>>) target(%dma_start3A_31 : memref<8x4096xf32, #tpu.memory_space<hbm>>) target_semaphore(%arg5 : memref<!tpu.dma_semaphore, #tpu.memory_space<semaphore_mem>>)
      %dma_start3A_32 = arith.constant 4 : i32
      %dma_start3A_33 = arith.constant 0 : i32
      %dma_start3A_34 = tpu.memref_slice %arg3[%dma_start3A_32, %mul3A_4, %dma_start3A_33] : memref<16x192x4096xf32, #tpu.memory_space<hbm>> -> memref<1x8x4096xf32, #tpu.memory_space<hbm>>
      %dma_start3A_35 = tpu.memref_squeeze %dma_start3A_34 : memref<1x8x4096xf32, #tpu.memory_space<hbm>> -> memref<8x4096xf32, #tpu.memory_space<hbm>>
      %dma_start3A_36 = arith.constant 0 : i32
      %dma_start3A_37 = tpu.memref_slice %arg3[%dma_start3A_32, %mul3A_4, %dma_start3A_36] : memref<16x192x4096xf32, #tpu.memory_space<hbm>> -> memref<1x8x4096xf32, #tpu.memory_space<hbm>>
      %dma_start3A_38 = tpu.memref_squeeze %dma_start3A_37 : memref<1x8x4096xf32, #tpu.memory_space<hbm>> -> memref<8x4096xf32, #tpu.memory_space<hbm>>
      tpu.enqueue_dma source(%arg4 : memref<8x4096xf32, #tpu.memory_space<vmem>>) target(%dma_start3A_38 : memref<8x4096xf32, #tpu.memory_space<hbm>>) target_semaphore(%arg5 : memref<!tpu.dma_semaphore, #tpu.memory_space<semaphore_mem>>)
      %dma_start3A_39 = arith.constant 5 : i32
      %dma_start3A_40 = arith.constant 0 : i32
      %dma_start3A_41 = tpu.memref_slice %arg3[%dma_start3A_39, %mul3A_4, %dma_start3A_40] : memref<16x192x4096xf32, #tpu.memory_space<hbm>> -> memref<1x8x4096xf32, #tpu.memory_space<hbm>>
      %dma_start3A_42 = tpu.memref_squeeze %dma_start3A_41 : memref<1x8x4096xf32, #tpu.memory_space<hbm>> -> memref<8x4096xf32, #tpu.memory_space<hbm>>
      %dma_start3A_43 = arith.constant 0 : i32
      %dma_start3A_44 = tpu.memref_slice %arg3[%dma_start3A_39, %mul3A_4, %dma_start3A_43] : memref<16x192x4096xf32, #tpu.memory_space<hbm>> -> memref<1x8x4096xf32, #tpu.memory_space<hbm>>
      %dma_start3A_45 = tpu.memref_squeeze %dma_start3A_44 : memref<1x8x4096xf32, #tpu.memory_space<hbm>> -> memref<8x4096xf32, #tpu.memory_space<hbm>>
      tpu.enqueue_dma source(%arg4 : memref<8x4096xf32, #tpu.memory_space<vmem>>) target(%dma_start3A_45 : memref<8x4096xf32, #tpu.memory_space<hbm>>) target_semaphore(%arg5 : memref<!tpu.dma_semaphore, #tpu.memory_space<semaphore_mem>>)
      %dma_start3A_46 = arith.constant 6 : i32
      %dma_start3A_47 = arith.constant 0 : i32
      %dma_start3A_48 = tpu.memref_slice %arg3[%dma_start3A_46, %mul3A_4, %dma_start3A_47] : memref<16x192x4096xf32, #tpu.memory_space<hbm>> -> memref<1x8x4096xf32, #tpu.memory_space<hbm>>
      %dma_start3A_49 = tpu.memref_squeeze %dma_start3A_48 : memref<1x8x4096xf32, #tpu.memory_space<hbm>> -> memref<8x4096xf32, #tpu.memory_space<hbm>>
      %dma_start3A_50 = arith.constant 0 : i32
      %dma_start3A_51 = tpu.memref_slice %arg3[%dma_start3A_46, %mul3A_4, %dma_start3A_50] : memref<16x192x4096xf32, #tpu.memory_space<hbm>> -> memref<1x8x4096xf32, #tpu.memory_space<hbm>>
      %dma_start3A_52 = tpu.memref_squeeze %dma_start3A_51 : memref<1x8x4096xf32, #tpu.memory_space<hbm>> -> memref<8x4096xf32, #tpu.memory_space<hbm>>
      tpu.enqueue_dma source(%arg4 : memref<8x4096xf32, #tpu.memory_space<vmem>>) target(%dma_start3A_52 : memref<8x4096xf32, #tpu.memory_space<hbm>>) target_semaphore(%arg5 : memref<!tpu.dma_semaphore, #tpu.memory_space<semaphore_mem>>)
      %dma_start3A_53 = arith.constant 7 : i32
      %dma_start3A_54 = arith.constant 0 : i32
      %dma_start3A_55 = tpu.memref_slice %arg3[%dma_start3A_53, %mul3A_4, %dma_start3A_54] : memref<16x192x4096xf32, #tpu.memory_space<hbm>> -> memref<1x8x4096xf32, #tpu.memory_space<hbm>>
      %dma_start3A_56 = tpu.memref_squeeze %dma_start3A_55 : memref<1x8x4096xf32, #tpu.memory_space<hbm>> -> memref<8x4096xf32, #tpu.memory_space<hbm>>
      %dma_start3A_57 = arith.constant 0 : i32
      %dma_start3A_58 = tpu.memref_slice %arg3[%dma_start3A_53, %mul3A_4, %dma_start3A_57] : memref<16x192x4096xf32, #tpu.memory_space<hbm>> -> memref<1x8x4096xf32, #tpu.memory_space<hbm>>
      %dma_start3A_59 = tpu.memref_squeeze %dma_start3A_58 : memref<1x8x4096xf32, #tpu.memory_space<hbm>> -> memref<8x4096xf32, #tpu.memory_space<hbm>>
      tpu.enqueue_dma source(%arg4 : memref<8x4096xf32, #tpu.memory_space<vmem>>) target(%dma_start3A_59 : memref<8x4096xf32, #tpu.memory_space<hbm>>) target_semaphore(%arg5 : memref<!tpu.dma_semaphore, #tpu.memory_space<semaphore_mem>>)
      %dma_start3A_60 = arith.constant 8 : i32
      %dma_start3A_61 = arith.constant 0 : i32
      %dma_start3A_62 = tpu.memref_slice %arg3[%dma_start3A_60, %mul3A_4, %dma_start3A_61] : memref<16x192x4096xf32, #tpu.memory_space<hbm>> -> memref<1x8x4096xf32, #tpu.memory_space<hbm>>
      %dma_start3A_63 = tpu.memref_squeeze %dma_start3A_62 : memref<1x8x4096xf32, #tpu.memory_space<hbm>> -> memref<8x4096xf32, #tpu.memory_space<hbm>>
      %dma_start3A_64 = arith.constant 0 : i32
      %dma_start3A_65 = tpu.memref_slice %arg3[%dma_start3A_60, %mul3A_4, %dma_start3A_64] : memref<16x192x4096xf32, #tpu.memory_space<hbm>> -> memref<1x8x4096xf32, #tpu.memory_space<hbm>>
      %dma_start3A_66 = tpu.memref_squeeze %dma_start3A_65 : memref<1x8x4096xf32, #tpu.memory_space<hbm>> -> memref<8x4096xf32, #tpu.memory_space<hbm>>
      tpu.enqueue_dma source(%arg4 : memref<8x4096xf32, #tpu.memory_space<vmem>>) target(%dma_start3A_66 : memref<8x4096xf32, #tpu.memory_space<hbm>>) target_semaphore(%arg5 : memref<!tpu.dma_semaphore, #tpu.memory_space<semaphore_mem>>)
      %dma_start3A_67 = arith.constant 9 : i32
      %dma_start3A_68 = arith.constant 0 : i32
      %dma_start3A_69 = tpu.memref_slice %arg3[%dma_start3A_67, %mul3A_4, %dma_start3A_68] : memref<16x192x4096xf32, #tpu.memory_space<hbm>> -> memref<1x8x4096xf32, #tpu.memory_space<hbm>>
      %dma_start3A_70 = tpu.memref_squeeze %dma_start3A_69 : memref<1x8x4096xf32, #tpu.memory_space<hbm>> -> memref<8x4096xf32, #tpu.memory_space<hbm>>
      %dma_start3A_71 = arith.constant 0 : i32
      %dma_start3A_72 = tpu.memref_slice %arg3[%dma_start3A_67, %mul3A_4, %dma_start3A_71] : memref<16x192x4096xf32, #tpu.memory_space<hbm>> -> memref<1x8x4096xf32, #tpu.memory_space<hbm>>
      %dma_start3A_73 = tpu.memref_squeeze %dma_start3A_72 : memref<1x8x4096xf32, #tpu.memory_space<hbm>> -> memref<8x4096xf32, #tpu.memory_space<hbm>>
      tpu.enqueue_dma source(%arg4 : memref<8x4096xf32, #tpu.memory_space<vmem>>) target(%dma_start3A_73 : memref<8x4096xf32, #tpu.memory_space<hbm>>) target_semaphore(%arg5 : memref<!tpu.dma_semaphore, #tpu.memory_space<semaphore_mem>>)
      %dma_start3A_74 = arith.constant 10 : i32
      %dma_start3A_75 = arith.constant 0 : i32
      %dma_start3A_76 = tpu.memref_slice %arg3[%dma_start3A_74, %mul3A_4, %dma_start3A_75] : memref<16x192x4096xf32, #tpu.memory_space<hbm>> -> memref<1x8x4096xf32, #tpu.memory_space<hbm>>
      %dma_start3A_77 = tpu.memref_squeeze %dma_start3A_76 : memref<1x8x4096xf32, #tpu.memory_space<hbm>> -> memref<8x4096xf32, #tpu.memory_space<hbm>>
      %dma_start3A_78 = arith.constant 0 : i32
      %dma_start3A_79 = tpu.memref_slice %arg3[%dma_start3A_74, %mul3A_4, %dma_start3A_78] : memref<16x192x4096xf32, #tpu.memory_space<hbm>> -> memref<1x8x4096xf32, #tpu.memory_space<hbm>>
      %dma_start3A_80 = tpu.memref_squeeze %dma_start3A_79 : memref<1x8x4096xf32, #tpu.memory_space<hbm>> -> memref<8x4096xf32, #tpu.memory_space<hbm>>
      tpu.enqueue_dma source(%arg4 : memref<8x4096xf32, #tpu.memory_space<vmem>>) target(%dma_start3A_80 : memref<8x4096xf32, #tpu.memory_space<hbm>>) target_semaphore(%arg5 : memref<!tpu.dma_semaphore, #tpu.memory_space<semaphore_mem>>)
      %dma_start3A_81 = arith.constant 11 : i32
      %dma_start3A_82 = arith.constant 0 : i32
      %dma_start3A_83 = tpu.memref_slice %arg3[%dma_start3A_81, %mul3A_4, %dma_start3A_82] : memref<16x192x4096xf32, #tpu.memory_space<hbm>> -> memref<1x8x4096xf32, #tpu.memory_space<hbm>>
      %dma_start3A_84 = tpu.memref_squeeze %dma_start3A_83 : memref<1x8x4096xf32, #tpu.memory_space<hbm>> -> memref<8x4096xf32, #tpu.memory_space<hbm>>
      %dma_start3A_85 = arith.constant 0 : i32
      %dma_start3A_86 = tpu.memref_slice %arg3[%dma_start3A_81, %mul3A_4, %dma_start3A_85] : memref<16x192x4096xf32, #tpu.memory_space<hbm>> -> memref<1x8x4096xf32, #tpu.memory_space<hbm>>
      %dma_start3A_87 = tpu.memref_squeeze %dma_start3A_86 : memref<1x8x4096xf32, #tpu.memory_space<hbm>> -> memref<8x4096xf32, #tpu.memory_space<hbm>>
      tpu.enqueue_dma source(%arg4 : memref<8x4096xf32, #tpu.memory_space<vmem>>) target(%dma_start3A_87 : memref<8x4096xf32, #tpu.memory_space<hbm>>) target_semaphore(%arg5 : memref<!tpu.dma_semaphore, #tpu.memory_space<semaphore_mem>>)
      %dma_start3A_88 = arith.constant 12 : i32
      %dma_start3A_89 = arith.constant 0 : i32
      %dma_start3A_90 = tpu.memref_slice %arg3[%dma_start3A_88, %mul3A_4, %dma_start3A_89] : memref<16x192x4096xf32, #tpu.memory_space<hbm>> -> memref<1x8x4096xf32, #tpu.memory_space<hbm>>
      %dma_start3A_91 = tpu.memref_squeeze %dma_start3A_90 : memref<1x8x4096xf32, #tpu.memory_space<hbm>> -> memref<8x4096xf32, #tpu.memory_space<hbm>>
      %dma_start3A_92 = arith.constant 0 : i32
      %dma_start3A_93 = tpu.memref_slice %arg3[%dma_start3A_88, %mul3A_4, %dma_start3A_92] : memref<16x192x4096xf32, #tpu.memory_space<hbm>> -> memref<1x8x4096xf32, #tpu.memory_space<hbm>>
      %dma_start3A_94 = tpu.memref_squeeze %dma_start3A_93 : memref<1x8x4096xf32, #tpu.memory_space<hbm>> -> memref<8x4096xf32, #tpu.memory_space<hbm>>
      tpu.enqueue_dma source(%arg4 : memref<8x4096xf32, #tpu.memory_space<vmem>>) target(%dma_start3A_94 : memref<8x4096xf32, #tpu.memory_space<hbm>>) target_semaphore(%arg5 : memref<!tpu.dma_semaphore, #tpu.memory_space<semaphore_mem>>)
      %dma_start3A_95 = arith.constant 13 : i32
      %dma_start3A_96 = arith.constant 0 : i32
      %dma_start3A_97 = tpu.memref_slice %arg3[%dma_start3A_95, %mul3A_4, %dma_start3A_96] : memref<16x192x4096xf32, #tpu.memory_space<hbm>> -> memref<1x8x4096xf32, #tpu.memory_space<hbm>>
      %dma_start3A_98 = tpu.memref_squeeze %dma_start3A_97 : memref<1x8x4096xf32, #tpu.memory_space<hbm>> -> memref<8x4096xf32, #tpu.memory_space<hbm>>
      %dma_start3A_99 = arith.constant 0 : i32
      %dma_start3A_100 = tpu.memref_slice %arg3[%dma_start3A_95, %mul3A_4, %dma_start3A_99] : memref<16x192x4096xf32, #tpu.memory_space<hbm>> -> memref<1x8x4096xf32, #tpu.memory_space<hbm>>
      %dma_start3A_101 = tpu.memref_squeeze %dma_start3A_100 : memref<1x8x4096xf32, #tpu.memory_space<hbm>> -> memref<8x4096xf32, #tpu.memory_space<hbm>>
      tpu.enqueue_dma source(%arg4 : memref<8x4096xf32, #tpu.memory_space<vmem>>) target(%dma_start3A_101 : memref<8x4096xf32, #tpu.memory_space<hbm>>) target_semaphore(%arg5 : memref<!tpu.dma_semaphore, #tpu.memory_space<semaphore_mem>>)
      %dma_start3A_102 = arith.constant 14 : i32
      %dma_start3A_103 = arith.constant 0 : i32
      %dma_start3A_104 = tpu.memref_slice %arg3[%dma_start3A_102, %mul3A_4, %dma_start3A_103] : memref<16x192x4096xf32, #tpu.memory_space<hbm>> -> memref<1x8x4096xf32, #tpu.memory_space<hbm>>
      %dma_start3A_105 = tpu.memref_squeeze %dma_start3A_104 : memref<1x8x4096xf32, #tpu.memory_space<hbm>> -> memref<8x4096xf32, #tpu.memory_space<hbm>>
      %dma_start3A_106 = arith.constant 0 : i32
      %dma_start3A_107 = tpu.memref_slice %arg3[%dma_start3A_102, %mul3A_4, %dma_start3A_106] : memref<16x192x4096xf32, #tpu.memory_space<hbm>> -> memref<1x8x4096xf32, #tpu.memory_space<hbm>>
      %dma_start3A_108 = tpu.memref_squeeze %dma_start3A_107 : memref<1x8x4096xf32, #tpu.memory_space<hbm>> -> memref<8x4096xf32, #tpu.memory_space<hbm>>
      tpu.enqueue_dma source(%arg4 : memref<8x4096xf32, #tpu.memory_space<vmem>>) target(%dma_start3A_108 : memref<8x4096xf32, #tpu.memory_space<hbm>>) target_semaphore(%arg5 : memref<!tpu.dma_semaphore, #tpu.memory_space<semaphore_mem>>)
      %dma_start3A_109 = arith.constant 15 : i32
      %dma_start3A_110 = arith.constant 0 : i32
      %dma_start3A_111 = tpu.memref_slice %arg3[%dma_start3A_109, %mul3A_4, %dma_start3A_110] : memref<16x192x4096xf32, #tpu.memory_space<hbm>> -> memref<1x8x4096xf32, #tpu.memory_space<hbm>>
      %dma_start3A_112 = tpu.memref_squeeze %dma_start3A_111 : memref<1x8x4096xf32, #tpu.memory_space<hbm>> -> memref<8x4096xf32, #tpu.memory_space<hbm>>
      %dma_start3A_113 = arith.constant 0 : i32
      %dma_start3A_114 = tpu.memref_slice %arg3[%dma_start3A_109, %mul3A_4, %dma_start3A_113] : memref<16x192x4096xf32, #tpu.memory_space<hbm>> -> memref<1x8x4096xf32, #tpu.memory_space<hbm>>
      %dma_start3A_115 = tpu.memref_squeeze %dma_start3A_114 : memref<1x8x4096xf32, #tpu.memory_space<hbm>> -> memref<8x4096xf32, #tpu.memory_space<hbm>>
      tpu.enqueue_dma source(%arg4 : memref<8x4096xf32, #tpu.memory_space<vmem>>) target(%dma_start3A_115 : memref<8x4096xf32, #tpu.memory_space<hbm>>) target_semaphore(%arg5 : memref<!tpu.dma_semaphore, #tpu.memory_space<semaphore_mem>>)
      %dma_wait3A = arith.constant 0 : i32
      %dma_wait3A_116 = arith.constant 0 : i32
      %dma_wait3A_117 = tpu.memref_slice %arg3[%dma_wait3A, %mul3A_4, %dma_wait3A_116] : memref<16x192x4096xf32, #tpu.memory_space<hbm>> -> memref<1x8x4096xf32, #tpu.memory_space<hbm>>
      %dma_wait3A_118 = tpu.memref_squeeze %dma_wait3A_117 : memref<1x8x4096xf32, #tpu.memory_space<hbm>> -> memref<8x4096xf32, #tpu.memory_space<hbm>>
      %dma_wait3A_119 = arith.constant 0 : i32
      %dma_wait3A_120 = tpu.memref_slice %arg3[%dma_wait3A, %mul3A_4, %dma_wait3A_119] : memref<16x192x4096xf32, #tpu.memory_space<hbm>> -> memref<1x8x4096xf32, #tpu.memory_space<hbm>>
      %dma_wait3A_121 = tpu.memref_squeeze %dma_wait3A_120 : memref<1x8x4096xf32, #tpu.memory_space<hbm>> -> memref<8x4096xf32, #tpu.memory_space<hbm>>
      tpu.wait_dma2 semaphore(%arg5 : memref<!tpu.dma_semaphore, #tpu.memory_space<semaphore_mem>>) src(%arg4 : memref<8x4096xf32, #tpu.memory_space<vmem>>) dst(%dma_wait3A_121 : memref<8x4096xf32, #tpu.memory_space<hbm>>)
      %dma_wait3A_122 = arith.constant 1 : i32
      %dma_wait3A_123 = arith.constant 0 : i32
      %dma_wait3A_124 = tpu.memref_slice %arg3[%dma_wait3A_122, %mul3A_4, %dma_wait3A_123] : memref<16x192x4096xf32, #tpu.memory_space<hbm>> -> memref<1x8x4096xf32, #tpu.memory_space<hbm>>
      %dma_wait3A_125 = tpu.memref_squeeze %dma_wait3A_124 : memref<1x8x4096xf32, #tpu.memory_space<hbm>> -> memref<8x4096xf32, #tpu.memory_space<hbm>>
      %dma_wait3A_126 = arith.constant 0 : i32
      %dma_wait3A_127 = tpu.memref_slice %arg3[%dma_wait3A_122, %mul3A_4, %dma_wait3A_126] : memref<16x192x4096xf32, #tpu.memory_space<hbm>> -> memref<1x8x4096xf32, #tpu.memory_space<hbm>>
      %dma_wait3A_128 = tpu.memref_squeeze %dma_wait3A_127 : memref<1x8x4096xf32, #tpu.memory_space<hbm>> -> memref<8x4096xf32, #tpu.memory_space<hbm>>
      tpu.wait_dma2 semaphore(%arg5 : memref<!tpu.dma_semaphore, #tpu.memory_space<semaphore_mem>>) src(%arg4 : memref<8x4096xf32, #tpu.memory_space<vmem>>) dst(%dma_wait3A_128 : memref<8x4096xf32, #tpu.memory_space<hbm>>)
      %dma_wait3A_129 = arith.constant 2 : i32
      %dma_wait3A_130 = arith.constant 0 : i32
      %dma_wait3A_131 = tpu.memref_slice %arg3[%dma_wait3A_129, %mul3A_4, %dma_wait3A_130] : memref<16x192x4096xf32, #tpu.memory_space<hbm>> -> memref<1x8x4096xf32, #tpu.memory_space<hbm>>
      %dma_wait3A_132 = tpu.memref_squeeze %dma_wait3A_131 : memref<1x8x4096xf32, #tpu.memory_space<hbm>> -> memref<8x4096xf32, #tpu.memory_space<hbm>>
      %dma_wait3A_133 = arith.constant 0 : i32
      %dma_wait3A_134 = tpu.memref_slice %arg3[%dma_wait3A_129, %mul3A_4, %dma_wait3A_133] : memref<16x192x4096xf32, #tpu.memory_space<hbm>> -> memref<1x8x4096xf32, #tpu.memory_space<hbm>>
      %dma_wait3A_135 = tpu.memref_squeeze %dma_wait3A_134 : memref<1x8x4096xf32, #tpu.memory_space<hbm>> -> memref<8x4096xf32, #tpu.memory_space<hbm>>
      tpu.wait_dma2 semaphore(%arg5 : memref<!tpu.dma_semaphore, #tpu.memory_space<semaphore_mem>>) src(%arg4 : memref<8x4096xf32, #tpu.memory_space<vmem>>) dst(%dma_wait3A_135 : memref<8x4096xf32, #tpu.memory_space<hbm>>)
      %dma_wait3A_136 = arith.constant 3 : i32
      %dma_wait3A_137 = arith.constant 0 : i32
      %dma_wait3A_138 = tpu.memref_slice %arg3[%dma_wait3A_136, %mul3A_4, %dma_wait3A_137] : memref<16x192x4096xf32, #tpu.memory_space<hbm>> -> memref<1x8x4096xf32, #tpu.memory_space<hbm>>
      %dma_wait3A_139 = tpu.memref_squeeze %dma_wait3A_138 : memref<1x8x4096xf32, #tpu.memory_space<hbm>> -> memref<8x4096xf32, #tpu.memory_space<hbm>>
      %dma_wait3A_140 = arith.constant 0 : i32
      %dma_wait3A_141 = tpu.memref_slice %arg3[%dma_wait3A_136, %mul3A_4, %dma_wait3A_140] : memref<16x192x4096xf32, #tpu.memory_space<hbm>> -> memref<1x8x4096xf32, #tpu.memory_space<hbm>>
      %dma_wait3A_142 = tpu.memref_squeeze %dma_wait3A_141 : memref<1x8x4096xf32, #tpu.memory_space<hbm>> -> memref<8x4096xf32, #tpu.memory_space<hbm>>
      tpu.wait_dma2 semaphore(%arg5 : memref<!tpu.dma_semaphore, #tpu.memory_space<semaphore_mem>>) src(%arg4 : memref<8x4096xf32, #tpu.memory_space<vmem>>) dst(%dma_wait3A_142 : memref<8x4096xf32, #tpu.memory_space<hbm>>)
      %dma_wait3A_143 = arith.constant 4 : i32
      %dma_wait3A_144 = arith.constant 0 : i32
      %dma_wait3A_145 = tpu.memref_slice %arg3[%dma_wait3A_143, %mul3A_4, %dma_wait3A_144] : memref<16x192x4096xf32, #tpu.memory_space<hbm>> -> memref<1x8x4096xf32, #tpu.memory_space<hbm>>
      %dma_wait3A_146 = tpu.memref_squeeze %dma_wait3A_145 : memref<1x8x4096xf32, #tpu.memory_space<hbm>> -> memref<8x4096xf32, #tpu.memory_space<hbm>>
      %dma_wait3A_147 = arith.constant 0 : i32
      %dma_wait3A_148 = tpu.memref_slice %arg3[%dma_wait3A_143, %mul3A_4, %dma_wait3A_147] : memref<16x192x4096xf32, #tpu.memory_space<hbm>> -> memref<1x8x4096xf32, #tpu.memory_space<hbm>>
      %dma_wait3A_149 = tpu.memref_squeeze %dma_wait3A_148 : memref<1x8x4096xf32, #tpu.memory_space<hbm>> -> memref<8x4096xf32, #tpu.memory_space<hbm>>
      tpu.wait_dma2 semaphore(%arg5 : memref<!tpu.dma_semaphore, #tpu.memory_space<semaphore_mem>>) src(%arg4 : memref<8x4096xf32, #tpu.memory_space<vmem>>) dst(%dma_wait3A_149 : memref<8x4096xf32, #tpu.memory_space<hbm>>)
      %dma_wait3A_150 = arith.constant 5 : i32
      %dma_wait3A_151 = arith.constant 0 : i32
      %dma_wait3A_152 = tpu.memref_slice %arg3[%dma_wait3A_150, %mul3A_4, %dma_wait3A_151] : memref<16x192x4096xf32, #tpu.memory_space<hbm>> -> memref<1x8x4096xf32, #tpu.memory_space<hbm>>
      %dma_wait3A_153 = tpu.memref_squeeze %dma_wait3A_152 : memref<1x8x4096xf32, #tpu.memory_space<hbm>> -> memref<8x4096xf32, #tpu.memory_space<hbm>>
      %dma_wait3A_154 = arith.constant 0 : i32
      %dma_wait3A_155 = tpu.memref_slice %arg3[%dma_wait3A_150, %mul3A_4, %dma_wait3A_154] : memref<16x192x4096xf32, #tpu.memory_space<hbm>> -> memref<1x8x4096xf32, #tpu.memory_space<hbm>>
      %dma_wait3A_156 = tpu.memref_squeeze %dma_wait3A_155 : memref<1x8x4096xf32, #tpu.memory_space<hbm>> -> memref<8x4096xf32, #tpu.memory_space<hbm>>
      tpu.wait_dma2 semaphore(%arg5 : memref<!tpu.dma_semaphore, #tpu.memory_space<semaphore_mem>>) src(%arg4 : memref<8x4096xf32, #tpu.memory_space<vmem>>) dst(%dma_wait3A_156 : memref<8x4096xf32, #tpu.memory_space<hbm>>)
      %dma_wait3A_157 = arith.constant 6 : i32
      %dma_wait3A_158 = arith.constant 0 : i32
      %dma_wait3A_159 = tpu.memref_slice %arg3[%dma_wait3A_157, %mul3A_4, %dma_wait3A_158] : memref<16x192x4096xf32, #tpu.memory_space<hbm>> -> memref<1x8x4096xf32, #tpu.memory_space<hbm>>
      %dma_wait3A_160 = tpu.memref_squeeze %dma_wait3A_159 : memref<1x8x4096xf32, #tpu.memory_space<hbm>> -> memref<8x4096xf32, #tpu.memory_space<hbm>>
      %dma_wait3A_161 = arith.constant 0 : i32
      %dma_wait3A_162 = tpu.memref_slice %arg3[%dma_wait3A_157, %mul3A_4, %dma_wait3A_161] : memref<16x192x4096xf32, #tpu.memory_space<hbm>> -> memref<1x8x4096xf32, #tpu.memory_space<hbm>>
      %dma_wait3A_163 = tpu.memref_squeeze %dma_wait3A_162 : memref<1x8x4096xf32, #tpu.memory_space<hbm>> -> memref<8x4096xf32, #tpu.memory_space<hbm>>
      tpu.wait_dma2 semaphore(%arg5 : memref<!tpu.dma_semaphore, #tpu.memory_space<semaphore_mem>>) src(%arg4 : memref<8x4096xf32, #tpu.memory_space<vmem>>) dst(%dma_wait3A_163 : memref<8x4096xf32, #tpu.memory_space<hbm>>)
      %dma_wait3A_164 = arith.constant 7 : i32
      %dma_wait3A_165 = arith.constant 0 : i32
      %dma_wait3A_166 = tpu.memref_slice %arg3[%dma_wait3A_164, %mul3A_4, %dma_wait3A_165] : memref<16x192x4096xf32, #tpu.memory_space<hbm>> -> memref<1x8x4096xf32, #tpu.memory_space<hbm>>
      %dma_wait3A_167 = tpu.memref_squeeze %dma_wait3A_166 : memref<1x8x4096xf32, #tpu.memory_space<hbm>> -> memref<8x4096xf32, #tpu.memory_space<hbm>>
      %dma_wait3A_168 = arith.constant 0 : i32
      %dma_wait3A_169 = tpu.memref_slice %arg3[%dma_wait3A_164, %mul3A_4, %dma_wait3A_168] : memref<16x192x4096xf32, #tpu.memory_space<hbm>> -> memref<1x8x4096xf32, #tpu.memory_space<hbm>>
      %dma_wait3A_170 = tpu.memref_squeeze %dma_wait3A_169 : memref<1x8x4096xf32, #tpu.memory_space<hbm>> -> memref<8x4096xf32, #tpu.memory_space<hbm>>
      tpu.wait_dma2 semaphore(%arg5 : memref<!tpu.dma_semaphore, #tpu.memory_space<semaphore_mem>>) src(%arg4 : memref<8x4096xf32, #tpu.memory_space<vmem>>) dst(%dma_wait3A_170 : memref<8x4096xf32, #tpu.memory_space<hbm>>)
      %dma_wait3A_171 = arith.constant 8 : i32
      %dma_wait3A_172 = arith.constant 0 : i32
      %dma_wait3A_173 = tpu.memref_slice %arg3[%dma_wait3A_171, %mul3A_4, %dma_wait3A_172] : memref<16x192x4096xf32, #tpu.memory_space<hbm>> -> memref<1x8x4096xf32, #tpu.memory_space<hbm>>
      %dma_wait3A_174 = tpu.memref_squeeze %dma_wait3A_173 : memref<1x8x4096xf32, #tpu.memory_space<hbm>> -> memref<8x4096xf32, #tpu.memory_space<hbm>>
      %dma_wait3A_175 = arith.constant 0 : i32
      %dma_wait3A_176 = tpu.memref_slice %arg3[%dma_wait3A_171, %mul3A_4, %dma_wait3A_175] : memref<16x192x4096xf32, #tpu.memory_space<hbm>> -> memref<1x8x4096xf32, #tpu.memory_space<hbm>>
      %dma_wait3A_177 = tpu.memref_squeeze %dma_wait3A_176 : memref<1x8x4096xf32, #tpu.memory_space<hbm>> -> memref<8x4096xf32, #tpu.memory_space<hbm>>
      tpu.wait_dma2 semaphore(%arg5 : memref<!tpu.dma_semaphore, #tpu.memory_space<semaphore_mem>>) src(%arg4 : memref<8x4096xf32, #tpu.memory_space<vmem>>) dst(%dma_wait3A_177 : memref<8x4096xf32, #tpu.memory_space<hbm>>)
      %dma_wait3A_178 = arith.constant 9 : i32
      %dma_wait3A_179 = arith.constant 0 : i32
      %dma_wait3A_180 = tpu.memref_slice %arg3[%dma_wait3A_178, %mul3A_4, %dma_wait3A_179] : memref<16x192x4096xf32, #tpu.memory_space<hbm>> -> memref<1x8x4096xf32, #tpu.memory_space<hbm>>
      %dma_wait3A_181 = tpu.memref_squeeze %dma_wait3A_180 : memref<1x8x4096xf32, #tpu.memory_space<hbm>> -> memref<8x4096xf32, #tpu.memory_space<hbm>>
      %dma_wait3A_182 = arith.constant 0 : i32
      %dma_wait3A_183 = tpu.memref_slice %arg3[%dma_wait3A_178, %mul3A_4, %dma_wait3A_182] : memref<16x192x4096xf32, #tpu.memory_space<hbm>> -> memref<1x8x4096xf32, #tpu.memory_space<hbm>>
      %dma_wait3A_184 = tpu.memref_squeeze %dma_wait3A_183 : memref<1x8x4096xf32, #tpu.memory_space<hbm>> -> memref<8x4096xf32, #tpu.memory_space<hbm>>
      tpu.wait_dma2 semaphore(%arg5 : memref<!tpu.dma_semaphore, #tpu.memory_space<semaphore_mem>>) src(%arg4 : memref<8x4096xf32, #tpu.memory_space<vmem>>) dst(%dma_wait3A_184 : memref<8x4096xf32, #tpu.memory_space<hbm>>)
      %dma_wait3A_185 = arith.constant 10 : i32
      %dma_wait3A_186 = arith.constant 0 : i32
      %dma_wait3A_187 = tpu.memref_slice %arg3[%dma_wait3A_185, %mul3A_4, %dma_wait3A_186] : memref<16x192x4096xf32, #tpu.memory_space<hbm>> -> memref<1x8x4096xf32, #tpu.memory_space<hbm>>
      %dma_wait3A_188 = tpu.memref_squeeze %dma_wait3A_187 : memref<1x8x4096xf32, #tpu.memory_space<hbm>> -> memref<8x4096xf32, #tpu.memory_space<hbm>>
      %dma_wait3A_189 = arith.constant 0 : i32
      %dma_wait3A_190 = tpu.memref_slice %arg3[%dma_wait3A_185, %mul3A_4, %dma_wait3A_189] : memref<16x192x4096xf32, #tpu.memory_space<hbm>> -> memref<1x8x4096xf32, #tpu.memory_space<hbm>>
      %dma_wait3A_191 = tpu.memref_squeeze %dma_wait3A_190 : memref<1x8x4096xf32, #tpu.memory_space<hbm>> -> memref<8x4096xf32, #tpu.memory_space<hbm>>
      tpu.wait_dma2 semaphore(%arg5 : memref<!tpu.dma_semaphore, #tpu.memory_space<semaphore_mem>>) src(%arg4 : memref<8x4096xf32, #tpu.memory_space<vmem>>) dst(%dma_wait3A_191 : memref<8x4096xf32, #tpu.memory_space<hbm>>)
      %dma_wait3A_192 = arith.constant 11 : i32
      %dma_wait3A_193 = arith.constant 0 : i32
      %dma_wait3A_194 = tpu.memref_slice %arg3[%dma_wait3A_192, %mul3A_4, %dma_wait3A_193] : memref<16x192x4096xf32, #tpu.memory_space<hbm>> -> memref<1x8x4096xf32, #tpu.memory_space<hbm>>
      %dma_wait3A_195 = tpu.memref_squeeze %dma_wait3A_194 : memref<1x8x4096xf32, #tpu.memory_space<hbm>> -> memref<8x4096xf32, #tpu.memory_space<hbm>>
      %dma_wait3A_196 = arith.constant 0 : i32
      %dma_wait3A_197 = tpu.memref_slice %arg3[%dma_wait3A_192, %mul3A_4, %dma_wait3A_196] : memref<16x192x4096xf32, #tpu.memory_space<hbm>> -> memref<1x8x4096xf32, #tpu.memory_space<hbm>>
      %dma_wait3A_198 = tpu.memref_squeeze %dma_wait3A_197 : memref<1x8x4096xf32, #tpu.memory_space<hbm>> -> memref<8x4096xf32, #tpu.memory_space<hbm>>
      tpu.wait_dma2 semaphore(%arg5 : memref<!tpu.dma_semaphore, #tpu.memory_space<semaphore_mem>>) src(%arg4 : memref<8x4096xf32, #tpu.memory_space<vmem>>) dst(%dma_wait3A_198 : memref<8x4096xf32, #tpu.memory_space<hbm>>)
      %dma_wait3A_199 = arith.constant 12 : i32
      %dma_wait3A_200 = arith.constant 0 : i32
      %dma_wait3A_201 = tpu.memref_slice %arg3[%dma_wait3A_199, %mul3A_4, %dma_wait3A_200] : memref<16x192x4096xf32, #tpu.memory_space<hbm>> -> memref<1x8x4096xf32, #tpu.memory_space<hbm>>
      %dma_wait3A_202 = tpu.memref_squeeze %dma_wait3A_201 : memref<1x8x4096xf32, #tpu.memory_space<hbm>> -> memref<8x4096xf32, #tpu.memory_space<hbm>>
      %dma_wait3A_203 = arith.constant 0 : i32
      %dma_wait3A_204 = tpu.memref_slice %arg3[%dma_wait3A_199, %mul3A_4, %dma_wait3A_203] : memref<16x192x4096xf32, #tpu.memory_space<hbm>> -> memref<1x8x4096xf32, #tpu.memory_space<hbm>>
      %dma_wait3A_205 = tpu.memref_squeeze %dma_wait3A_204 : memref<1x8x4096xf32, #tpu.memory_space<hbm>> -> memref<8x4096xf32, #tpu.memory_space<hbm>>
      tpu.wait_dma2 semaphore(%arg5 : memref<!tpu.dma_semaphore, #tpu.memory_space<semaphore_mem>>) src(%arg4 : memref<8x4096xf32, #tpu.memory_space<vmem>>) dst(%dma_wait3A_205 : memref<8x4096xf32, #tpu.memory_space<hbm>>)
      %dma_wait3A_206 = arith.constant 13 : i32
      %dma_wait3A_207 = arith.constant 0 : i32
      %dma_wait3A_208 = tpu.memref_slice %arg3[%dma_wait3A_206, %mul3A_4, %dma_wait3A_207] : memref<16x192x4096xf32, #tpu.memory_space<hbm>> -> memref<1x8x4096xf32, #tpu.memory_space<hbm>>
      %dma_wait3A_209 = tpu.memref_squeeze %dma_wait3A_208 : memref<1x8x4096xf32, #tpu.memory_space<hbm>> -> memref<8x4096xf32, #tpu.memory_space<hbm>>
      %dma_wait3A_210 = arith.constant 0 : i32
      %dma_wait3A_211 = tpu.memref_slice %arg3[%dma_wait3A_206, %mul3A_4, %dma_wait3A_210] : memref<16x192x4096xf32, #tpu.memory_space<hbm>> -> memref<1x8x4096xf32, #tpu.memory_space<hbm>>
      %dma_wait3A_212 = tpu.memref_squeeze %dma_wait3A_211 : memref<1x8x4096xf32, #tpu.memory_space<hbm>> -> memref<8x4096xf32, #tpu.memory_space<hbm>>
      tpu.wait_dma2 semaphore(%arg5 : memref<!tpu.dma_semaphore, #tpu.memory_space<semaphore_mem>>) src(%arg4 : memref<8x4096xf32, #tpu.memory_space<vmem>>) dst(%dma_wait3A_212 : memref<8x4096xf32, #tpu.memory_space<hbm>>)
      %dma_wait3A_213 = arith.constant 14 : i32
      %dma_wait3A_214 = arith.constant 0 : i32
      %dma_wait3A_215 = tpu.memref_slice %arg3[%dma_wait3A_213, %mul3A_4, %dma_wait3A_214] : memref<16x192x4096xf32, #tpu.memory_space<hbm>> -> memref<1x8x4096xf32, #tpu.memory_space<hbm>>
      %dma_wait3A_216 = tpu.memref_squeeze %dma_wait3A_215 : memref<1x8x4096xf32, #tpu.memory_space<hbm>> -> memref<8x4096xf32, #tpu.memory_space<hbm>>
      %dma_wait3A_217 = arith.constant 0 : i32
      %dma_wait3A_218 = tpu.memref_slice %arg3[%dma_wait3A_213, %mul3A_4, %dma_wait3A_217] : memref<16x192x4096xf32, #tpu.memory_space<hbm>> -> memref<1x8x4096xf32, #tpu.memory_space<hbm>>
      %dma_wait3A_219 = tpu.memref_squeeze %dma_wait3A_218 : memref<1x8x4096xf32, #tpu.memory_space<hbm>> -> memref<8x4096xf32, #tpu.memory_space<hbm>>
      tpu.wait_dma2 semaphore(%arg5 : memref<!tpu.dma_semaphore, #tpu.memory_space<semaphore_mem>>) src(%arg4 : memref<8x4096xf32, #tpu.memory_space<vmem>>) dst(%dma_wait3A_219 : memref<8x4096xf32, #tpu.memory_space<hbm>>)
      %dma_wait3A_220 = arith.constant 15 : i32
      %dma_wait3A_221 = arith.constant 0 : i32
      %dma_wait3A_222 = tpu.memref_slice %arg3[%dma_wait3A_220, %mul3A_4, %dma_wait3A_221] : memref<16x192x4096xf32, #tpu.memory_space<hbm>> -> memref<1x8x4096xf32, #tpu.memory_space<hbm>>
      %dma_wait3A_223 = tpu.memref_squeeze %dma_wait3A_222 : memref<1x8x4096xf32, #tpu.memory_space<hbm>> -> memref<8x4096xf32, #tpu.memory_space<hbm>>
      %dma_wait3A_224 = arith.constant 0 : i32
      %dma_wait3A_225 = tpu.memref_slice %arg3[%dma_wait3A_220, %mul3A_4, %dma_wait3A_224] : memref<16x192x4096xf32, #tpu.memory_space<hbm>> -> memref<1x8x4096xf32, #tpu.memory_space<hbm>>
      %dma_wait3A_226 = tpu.memref_squeeze %dma_wait3A_225 : memref<1x8x4096xf32, #tpu.memory_space<hbm>> -> memref<8x4096xf32, #tpu.memory_space<hbm>>
      tpu.wait_dma2 semaphore(%arg5 : memref<!tpu.dma_semaphore, #tpu.memory_space<semaphore_mem>>) src(%arg4 : memref<8x4096xf32, #tpu.memory_space<vmem>>) dst(%dma_wait3A_226 : memref<8x4096xf32, #tpu.memory_space<hbm>>)
    } else {
    }
    return
  }
}

</mosaic_0001>

<sc_bundles>
// kernel: kernel.3.cloned.1.call-start
scs
__scs_entry_jumppad:
0x0: {  	(pc) =	sbr.rel $0x88, $3  }
0x1: {  	(tag) =	ssettag $0x0;
	lr =	simm.s32 $0x1  }
0x2: {  	[smem:$0x3FA0] =	sst lr;
	_ =	strace $0xD0000000  }
0x3: {  	_ = 	snop  }
0x4: {  	_ = 	snop  }
0x5: {  	_ = 	snop  }
0x6: {  	_ = 	snop  }
0x7: {  	_ = 	snop  }
__scs_overlays_trampoline_lowered:
0x8: {  	[smem:$0x3FAF] =	sst s0  }
0x9: {  	[smem:$0x3FB0] =	sst s1  }
0xa: {  	[smem:$0x3FB1] =	sst s2  }
0xb: {  	[smem:$0x3FB2] =	sst s3  }
0xc: {  	[smem:$0x3FB3] =	sst s4  }
0xd: {  	[smem:$0x3FB4] =	sst s5  }
0xe: {  	[smem:$0x3FB5] =	sst s6  }
0xf: {  	[smem:$0x3FB6] =	sst s7  }
0x10: {  	[smem:$0x3FB7] =	sst s8  }
0x11: {  	[smem:$0x3FB8] =	sst s9;
	s0 =	simm.s32 @!p0 $0x0  }
0x12: {  	s1 =	sld [smem:$0x3F9E];
	s0 =	simm.s32 @p0 $0x1  }
0x13: {  	[smem:$0x3FB9] =	sst s0;
	s0 =	simm.s32 @!p1 $0x0  }
0x14: {  	s2 =	sld [smem:$0x3F9D];
	s0 =	simm.s32 @p1 $0x1  }
0x15: {  	[smem:$0x3FBA] =	sst s0;
	s0 =	simm.s32 @!p2 $0x0  }
0x16: {  	s3 =	sld [smem:$0x3FDB];
	s0 =	simm.s32 @p2 $0x1  }
0x17: {  	s4 =	simm.s32 $0x1BF5;
	[smem:$0x3FBC] =	sst s0  }
0x18: {  	s0 =	sld [smem:$0x3F9F];
	_ =	swait.ge [sflag:s4], $0x0  }
0x19: {  	s7 =	sld [smem:$0x3FA0]  }
0x1a: {  	s8 =	sadd.s32 $0xFFFFE003, lr  }
0x1b: {  	s9 =	sadd.s32 $0xFFFFFEF7, lr;
	s5 =	simm.s32 $0xFFFFFFFF;
	p2 =	slt.u32 s8, $0xFFFFF086  }
0x1c: {  	p1 =	slt.u32 s9, $0xF7A;
	s5 =	simm.s32 @!p2 $0x0  }
0x1d: {  	s5 =	simm.s32 @p1 $0x1;
	p0 =	seq.s32 s7, s2  }
0x1e: {  	s7 =	smul.u32 @!p0 $0xF7A, s2;
	p2 =	seq.s32 @!p0 s5, $0x0  }
0x1f: {  	s9 =	smul.u32 $0xF7A, s1;
	s8 =	simm.s32 @!p0 $0x1BF5;
	p2 =	por !p2, p0  }
0x20: {  	[sflag:s8] =	ssyncset.s32 @!p0 $0xFFFFF086;
	s6 =	sadd.s32 @!p0 s3, s7;
	s7 =	simm.s32 @!p0 $0x108  }
0x21: {  	s3 =	sadd.s32 s3, s9;
	s6 =	sadd.s32 @!p0 $0x88, s6;
	s7 =	simm.s32 @p2 $0x1082  }
0x22: {  	[simem:s7], [sflag:s8] =	dma.local @!p0 [hbm:s6], $0xF7A  }
0x23: {  	s9 =	sor.u32 $0xD0000000, s2;
	s6 =	simm.s32 $0x108;
	_ =	swait.ge @!p0 [sflag:s8], $0x0  }
0x24: {  	s3 =	sadd.s32 $0x88, s3;
	s6 =	simm.s32 @!p1 $0x1082;
	[sflag:s4] =	ssyncset.s32 $0xFFFFF086  }
0x25: {  	[simem:s6], [sflag:s4] =	dma.local [hbm:s3], $0xF7A  }
0x26: {  	[smem:$0x3FA0] =	sst s1;
	(tag) =	ssettag s2;
	_ =	strace s9  }
0x27: {  	s1 =	sld [smem:$0x3FB0]  }
0x28: {  	s2 =	sld [smem:$0x3FB1]  }
0x29: {  	s4 =	sld [smem:$0x3FB3]  }
0x2a: {  	p0 =	seq.s32 s5, $0x0;
	s5 =	sld [smem:$0x3FB4]  }
0x2b: {  	s6 =	sld [smem:$0x3FB5]  }
0x2c: {  	s7 =	sld [smem:$0x3FB6]  }
0x2d: {  	s3 =	simm.s32 $0x108;
	s8 =	sld [smem:$0x3FB7]  }
0x2e: {  	s3 =	simm.s32 @!p0 $0x1082;
	s9 =	sld [smem:$0x3FB8]  }
0x2f: {  	lr =	sadd.s32 s0, s3;
	s0 =	sld [smem:$0x3FAF]  }
0x30: {  	s3 =	sld [smem:$0x3FB2]  }
0x31: {  	[smem:$0x3FBB] =	sst s10  }
0x32: {  	s10 =	sld [smem:$0x3FB9];
	_ =	sdelay $0x3  }
0x33: {  	p0 =	seq.s32 s10, $0x1;
	s10 =	sld [smem:$0x3FBB];
	_ =	sdelay $0x3  }
0x34: {  	[smem:$0x3FBB] =	sst s10  }
0x35: {  	s10 =	sld [smem:$0x3FBA];
	_ =	sdelay $0x3  }
0x36: {  	p1 =	seq.s32 s10, $0x1;
	s10 =	sld [smem:$0x3FBB];
	_ =	sdelay $0x3  }
0x37: {  	[smem:$0x3FBB] =	sst s10  }
0x38: {  	s10 =	sld [smem:$0x3FBC]  }
0x39: {  	_ = 	snop;
	(pc) =	sbr.ind lr, $3  }
0x3a: {  	_ = 	snop  }
0x3b: {  	_ = 	snop  }
0x3c: {  	p2 =	seq.s32 s10, $0x1;
	s10 =	sld [smem:$0x3FBB]  }
0x3d: {  	_ =	shalt  }
0x3e: {  	_ =	shalt  }
0x3f: {  	_ =	shalt  }
0x40: {  	_ =	shalt  }
0x41: {  	_ =	shalt  }
0x42: {  	_ =	shalt  }
0x43: {  	_ =	shalt  }
0x44: {  	_ =	shalt  }
0x45: {  	_ =	shalt  }
0x46: {  	_ =	shalt  }
0x47: {  	_ =	shalt  }
0x48: {  	_ =	shalt  }
0x49: {  	_ =	shalt  }
0x4a: {  	_ =	shalt  }
0x4b: {  	_ =	shalt  }
0x4c: {  	_ =	shalt  }
0x4d: {  	_ =	shalt  }
0x4e: {  	_ =	shalt  }
0x4f: {  	_ =	shalt  }
0x50: {  	_ =	shalt  }
0x51: {  	_ =	shalt  }
0x52: {  	_ =	shalt  }
0x53: {  	_ =	shalt  }
0x54: {  	_ =	shalt  }
0x55: {  	_ =	shalt  }
0x56: {  	_ =	shalt  }
0x57: {  	_ =	shalt  }
0x58: {  	_ =	shalt  }
0x59: {  	_ =	shalt  }
0x5a: {  	_ =	shalt  }
0x5b: {  	_ =	shalt  }
0x5c: {  	_ =	shalt  }
0x5d: {  	_ =	shalt  }
0x5e: {  	_ =	shalt  }
0x5f: {  	_ =	shalt  }
0x60: {  	_ =	shalt  }
0x61: {  	_ =	shalt  }
0x62: {  	_ =	shalt  }
0x63: {  	_ =	shalt  }
0x64: {  	_ =	shalt  }
0x65: {  	_ =	shalt  }
0x66: {  	_ =	shalt  }
0x67: {  	_ =	shalt  }
0x68: {  	_ =	shalt  }
0x69: {  	_ =	shalt  }
0x6a: {  	_ =	shalt  }
0x6b: {  	_ =	shalt  }
0x6c: {  	_ =	shalt  }
0x6d: {  	_ =	shalt  }
0x6e: {  	_ =	shalt  }
0x6f: {  	_ =	shalt  }
0x70: {  	_ =	shalt  }
0x71: {  	_ =	shalt  }
0x72: {  	_ =	shalt  }
0x73: {  	_ =	shalt  }
0x74: {  	_ =	shalt  }
0x75: {  	_ =	shalt  }
0x76: {  	_ =	shalt  }
0x77: {  	_ =	shalt  }
0x78: {  	_ =	shalt  }
0x79: {  	_ =	shalt  }
0x7a: {  	_ =	shalt  }
0x7b: {  	_ =	shalt  }
0x7c: {  	_ =	shalt  }
0x7d: {  	_ =	shalt  }
0x7e: {  	_ =	shalt  }
0x7f: {  	_ =	shalt  }
0x80: {  	_ =	shalt  }
0x81: {  	_ =	shalt  }
0x82: {  	_ =	shalt  }
0x83: {  	_ =	shalt  }
0x84: {  	_ =	shalt  }
0x85: {  	_ =	shalt  }
0x86: {  	_ =	shalt  }
0x87: {  	_ =	shalt  }
.Lfunc_end0:
.L_simem_size_0:
called_computation_lowered:
.L_overlay_start_0:
0x88: {  	s2 =	sld [smem:$0x3FD9]  }
0x89: {  	s3 =	sld [smem:$0x3FFE];
	_ =	sdelay $0x1  }
0x8a: {  	s1 =	srdreg.scid  }
0x8b: {  	s0 =	sand.u32 $0x1, s1  }
0x8c: {  	s18 =	sshll.u32 s0, $0xA;
	s2 =	sadd.s32 s3, s2  }
0x8d: {  	s2 =	sadd.s32 s2, s18  }
0x8e: {  	[smem:$0x3FC7] =	sst s2  }
0x8f: {  	_ = 	snop  }
0x90: {  	s2 =	sld [smem:$0x3FC9]  }
0x91: {  	s19 =	sld [smem:$0x3FD0];
	(tm) =	ssettm $0x1  }
0x92: {  	s4 =	sld [smem:$0x3FFB];
	_ =	sdelay $0x3  }
0x93: {  	_ =	strace s4  }
0x94: {  	s4 =	sld [smem:$0x3FFC];
	_ =	sdelay $0x3  }
0x95: {  	_ =	strace s4  }
0x96: {  	s4 =	sld [smem:$0x3FFD];
	_ =	sdelay $0x3  }
0x97: {  	_ =	strace s4  }
0x98: {  	_ =	strace $0x8FFFFFFF  }
0x99: {  	s20 =	sld [smem:$0x3FDB];
	_ =	sdelay $0x1  }
0x9a: {  	s5 =	simm.s32 $_scs_section_size  }
0x9b: {  	s6 =	simm.s32 $_size__tile_overlayer_lowered;
	s7 =	simm.s32 $_tile_overlayer_lowered  }
0x9c: {  	s23 =	simm.s32 $0x1BFF;
	s22 =	sshll.u32 s7, $0x1;
	s4 =	sadd.s32 s5, s20  }
0x9d: {  	s8 =	simm.s32 $0x0;
	s21 =	sshll.u32 s6, $0x1;
	s6 =	sadd.s32 s22, s4  }
0x9e: {  	[timem:s8], [sflag:s23] =	dma.local [hbm:s6], s21  }
0x9f: {  	_ =	swait.ge [sflag:s23], s21  }
0xa0: {  	s5 =	ssub.s32 $0x0, s21;
	[sflag:s23] =	ssyncset.done $0x0  }
0xa1: {  	[sflag:s23] =	ssyncadd.s32 s5;
	_ =	sdelay $0x1  }
0xa2: {  	s24 =	simm.s32 $0x1B8B  }
0xa3: {  	_ =	swait.ge [sflag:s24], $0x1  }
0xa4: {  	[sflag:s24] =	ssyncset.done $0x0  }
0xa5: {  	s25 =	simm.s32 $0x1B8E;
	[sflag:s24] =	ssyncadd.s32 $0xFFFFFFFF  }
0xa6: {  	s26 =	simm.s32 $execute0_lowered;
	[smem:$0x3FD2] =	sst s25  }
0xa7: {  	s5 =	sshll.u32 s26, $0x1;
	_ =	strace $0x80000046;
	[dreg:$0x1] =	wrdreg $0xFFFFFFFF  }
0xa8: {  	s28 =	simm.s32 $_size_execute0_lowered;
	s4 =	sadd.s32 s4, s5;
	[dreg:$0x0] =	wrdreg $0x0  }
0xa9: {  	s5 =	sshll.u32 s28, $0x1;
	[dreg:$0x2] =	wrdreg s4  }
0xaa: {  	[dreg:$0x3] =	wrdreg s5  }
0xab: {  	[dreg:$0x4] =	wrdreg $0xC0  }
0xac: {  	_ =	task [dreg:s8], $0x5FFFF  }
0xad: {  	[dreg:$0x1] =	wrdreg $0xFFFFFFFF  }
0xae: {  	[dreg:$0x0] =	wrdreg $0x60  }
0xaf: {  	[dreg:$0x2] =	wrdreg s2  }
0xb0: {  	[dreg:$0x3] =	wrdreg s19  }
0xb1: {  	[dreg:$0x4] =	wrdreg $0x9  }
0xb2: {  	_ =	task.clear_ibuf [dreg:s8], $0x5FFFF;
	_ =	strace $0x90000046  }
0xb3: {  	s29 =	simm.s32 $0x9;
	_ =	strace $0x80000048  }
0xb4: {  	_ =	swait.ge [sflag:s29], $0x1  }
0xb5: {  	[sflag:s29] =	ssyncadd.s32 $0xFFFFFFFF  }
0xb6: {  	_ =	strace $0x90000048  }
0xb7: {  	_ =	sfence  }
0xb8: {  	s30 =	sld [smem:$0x0];
	_ =	sdelay $0x2  }
0xb9: {  	s31 =	sshll.u32 s1, $0xD;
	s1 =	sshrl.u32 s1, $0x2  }
0xba: {  	s3 =	sand.u32 $0x4000, s31;
	s1 =	sadd.s32 s1, s30  }
0xbb: {  	s0 =	sor.u32 s3, s0;
	s1 =	sshll.u32 s1, $0x11  }
0xbc: {  	s0 =	sor.u32 s1, s0  }
0xbd: {  	s0 =	sadd.s32 $0x8F2B, s0  }
0xbe: {  	[sflag:s0] =	ssyncadd.remote.s32 $0x1  }
0xbf: {  	_ =	sfence.sel $0xFFFF  }
0xc0: {  	[dreg:$0x0] =	wrdreg $0xFFFFFFFF;
	(pc) =	sbr.abs _section_cstart, $3  }
0xc1: {  	[dreg:$0x1] =	wrdreg $0xFFFFFFFF  }
0xc2: {  	_ =	task.clear_ibuf [dreg:s8], $0x2FFFF;
	_ =	strace $0x9FFFFFFF  }
0xc3: {  	(tm) =	ssettm $0x7FFFFFFF  }
tec
execute0_lowered:
.L_overlay_start_1:
0x0: {  	(tag) =	ssettag $0x1  }
0x1: {  	s1 =	stileid.u32  }
0x2: {  	p0 =	sgt.u32 s1, $0xB  }
.Ltmp0:
0x3: {  	_ = 	snop;
	(pc) =	sbr.rel @p0 .LBB2_4-.Ltmp0, $4  }
0x4: {  	s3 =	rddreg [dreg:$0x0]  }
0x5: {  	s5 =	rddreg [dreg:$0x1];
	s2 =	simm.s32 $0x0  }
0x6: {  	[smem:$0x7FF] =	sst s2  }
0x7: {  	s0 =	rddreg [dreg:$0x2];
	_ =	strace $0x80000047  }
0x8: {  	s4 =	srdreg.scid  }
0x9: {  	s22 =	sand.u32 $0x1, s4  }
0xa: {  	s31 =	sshll.u32 s1, $0xD;
	s6 =	sshll.u32 s22, $0xC  }
0xb: {  	s6 =	sor.u32 s6, s31  }
0xc: {  	s4 =	simm.s32 $0x2;
	s3 =	sadd.s32 s3, s6  }
0xd: {  	[tilespmem:s2], [sflag:$0x2] =	stream.linear.gather [hbm4b:s3+s2], $0x8000, $0x38;
	[tilespmem:$0x8000] =	vst v63  }
0xe: {  	_ =	swait.ge [sflag:s4], $0x8000  }
0xf: {  	[sflag:s4] =	ssyncset.done $0x0  }
0x10: {  	s5 =	sadd.s32 s5, s6;
	[sflag:s4] =	ssyncadd.s32 $0xFFFF8000  }
0x11: {  	[hbm4b:s5+s2] =	stream.linear.scatter [tilespmem:s2], [sflag:$0x1], $0x8000, $0x38;
	[tilespmem:$0x8000] =	vst v63  }
0x12: {  	s6 =	sadd.s32 $0x18000, s5  }
0x13: {  	[hbm4b:s6+s2] =	stream.linear.scatter [tilespmem:s2], [sflag:$0x1], $0x8000, $0x38;
	[tilespmem:$0x8000] =	vst v63  }
0x14: {  	s7 =	sadd.s32 $0x30000, s5  }
0x15: {  	[hbm4b:s7+s2] =	stream.linear.scatter [tilespmem:s2], [sflag:$0x1], $0x8000, $0x38;
	[tilespmem:$0x8000] =	vst v63  }
0x16: {  	s8 =	sadd.s32 $0x48000, s5  }
0x17: {  	[hbm4b:s8+s2] =	stream.linear.scatter [tilespmem:s2], [sflag:$0x1], $0x8000, $0x38;
	[tilespmem:$0x8000] =	vst v63  }
0x18: {  	s9 =	sadd.s32 $0x60000, s5  }
0x19: {  	[hbm4b:s9+s2] =	stream.linear.scatter [tilespmem:s2], [sflag:$0x1], $0x8000, $0x38;
	[tilespmem:$0x8000] =	vst v63  }
0x1a: {  	s10 =	sadd.s32 $0x78000, s5  }
0x1b: {  	[hbm4b:s10+s2] =	stream.linear.scatter [tilespmem:s2], [sflag:$0x1], $0x8000, $0x38;
	[tilespmem:$0x8000] =	vst v63  }
0x1c: {  	s11 =	sadd.s32 $0x90000, s5  }
0x1d: {  	[hbm4b:s11+s2] =	stream.linear.scatter [tilespmem:s2], [sflag:$0x1], $0x8000, $0x38;
	[tilespmem:$0x8000] =	vst v63  }
0x1e: {  	s12 =	sadd.s32 $0xA8000, s5  }
0x1f: {  	[hbm4b:s12+s2] =	stream.linear.scatter [tilespmem:s2], [sflag:$0x1], $0x8000, $0x38;
	[tilespmem:$0x8000] =	vst v63  }
0x20: {  	s13 =	sadd.s32 $0xC0000, s5  }
0x21: {  	[hbm4b:s13+s2] =	stream.linear.scatter [tilespmem:s2], [sflag:$0x1], $0x8000, $0x38;
	[tilespmem:$0x8000] =	vst v63  }
0x22: {  	s14 =	sadd.s32 $0xD8000, s5  }
0x23: {  	[hbm4b:s14+s2] =	stream.linear.scatter [tilespmem:s2], [sflag:$0x1], $0x8000, $0x38;
	[tilespmem:$0x8000] =	vst v63  }
0x24: {  	s15 =	sadd.s32 $0xF0000, s5  }
0x25: {  	[hbm4b:s15+s2] =	stream.linear.scatter [tilespmem:s2], [sflag:$0x1], $0x8000, $0x38;
	[tilespmem:$0x8000] =	vst v63  }
0x26: {  	s16 =	sadd.s32 $0x108000, s5  }
0x27: {  	[hbm4b:s16+s2] =	stream.linear.scatter [tilespmem:s2], [sflag:$0x1], $0x8000, $0x38;
	[tilespmem:$0x8000] =	vst v63  }
0x28: {  	s17 =	sadd.s32 $0x120000, s5  }
0x29: {  	[hbm4b:s17+s2] =	stream.linear.scatter [tilespmem:s2], [sflag:$0x1], $0x8000, $0x38;
	[tilespmem:$0x8000] =	vst v63  }
0x2a: {  	s18 =	sadd.s32 $0x138000, s5  }
0x2b: {  	[hbm4b:s18+s2] =	stream.linear.scatter [tilespmem:s2], [sflag:$0x1], $0x8000, $0x38;
	[tilespmem:$0x8000] =	vst v63  }
0x2c: {  	s19 =	sadd.s32 $0x150000, s5  }
0x2d: {  	[hbm4b:s19+s2] =	stream.linear.scatter [tilespmem:s2], [sflag:$0x1], $0x8000, $0x38;
	[tilespmem:$0x8000] =	vst v63  }
0x2e: {  	s20 =	simm.s32 $0x1;
	s21 =	sadd.s32 $0x168000, s5  }
0x2f: {  	[hbm4b:s21+s2] =	stream.linear.scatter [tilespmem:s2], [sflag:$0x1], $0x8000, $0x38;
	[tilespmem:$0x8000] =	vst v63  }
0x30: {  	_ =	swait.ge [sflag:s20], $0x8000  }
0x31: {  	[sflag:s20] =	ssyncset.done $0x0  }
0x32: {  	[sflag:s20] =	ssyncadd.s32 $0xFFFF8000  }
0x33: {  	_ =	swait.ge [sflag:s20], $0x8000  }
0x34: {  	[sflag:s20] =	ssyncset.done $0x0  }
0x35: {  	[sflag:s20] =	ssyncadd.s32 $0xFFFF8000  }
0x36: {  	_ =	swait.ge [sflag:s20], $0x8000  }
0x37: {  	[sflag:s20] =	ssyncset.done $0x0  }
0x38: {  	[sflag:s20] =	ssyncadd.s32 $0xFFFF8000  }
0x39: {  	_ =	swait.ge [sflag:s20], $0x8000  }
0x3a: {  	[sflag:s20] =	ssyncset.done $0x0  }
0x3b: {  	[sflag:s20] =	ssyncadd.s32 $0xFFFF8000  }
0x3c: {  	_ =	swait.ge [sflag:s20], $0x8000  }
0x3d: {  	[sflag:s20] =	ssyncset.done $0x0  }
0x3e: {  	[sflag:s20] =	ssyncadd.s32 $0xFFFF8000  }
0x3f: {  	_ =	swait.ge [sflag:s20], $0x8000  }
0x40: {  	[sflag:s20] =	ssyncset.done $0x0  }
0x41: {  	[sflag:s20] =	ssyncadd.s32 $0xFFFF8000  }
0x42: {  	_ =	swait.ge [sflag:s20], $0x8000  }
0x43: {  	[sflag:s20] =	ssyncset.done $0x0  }
0x44: {  	[sflag:s20] =	ssyncadd.s32 $0xFFFF8000  }
0x45: {  	_ =	swait.ge [sflag:s20], $0x8000  }
0x46: {  	[sflag:s20] =	ssyncset.done $0x0  }
0x47: {  	[sflag:s20] =	ssyncadd.s32 $0xFFFF8000  }
0x48: {  	_ =	swait.ge [sflag:s20], $0x8000  }
0x49: {  	[sflag:s20] =	ssyncset.done $0x0  }
0x4a: {  	[sflag:s20] =	ssyncadd.s32 $0xFFFF8000  }
0x4b: {  	_ =	swait.ge [sflag:s20], $0x8000  }
0x4c: {  	[sflag:s20] =	ssyncset.done $0x0  }
0x4d: {  	[sflag:s20] =	ssyncadd.s32 $0xFFFF8000  }
0x4e: {  	_ =	swait.ge [sflag:s20], $0x8000  }
0x4f: {  	[sflag:s20] =	ssyncset.done $0x0  }
0x50: {  	[sflag:s20] =	ssyncadd.s32 $0xFFFF8000  }
0x51: {  	_ =	swait.ge [sflag:s20], $0x8000  }
0x52: {  	[sflag:s20] =	ssyncset.done $0x0  }
0x53: {  	[sflag:s20] =	ssyncadd.s32 $0xFFFF8000  }
0x54: {  	_ =	swait.ge [sflag:s20], $0x8000  }
0x55: {  	s22 =	ssub.s32 $0x2, s22;
	[sflag:s20] =	ssyncset.done $0x0  }
0x56: {  	s23 =	sshrl.u32 s22, $0x1;
	[sflag:s20] =	ssyncadd.s32 $0xFFFF8000  }
0x57: {  	s22 =	ssub.s32 s22, s23;
	_ =	swait.ge [sflag:s20], $0x8000  }
0x58: {  	s22 =	smax.u32 s22, $0x1;
	[sflag:s20] =	ssyncset.done $0x0  }
0x59: {  	p0 =	sne.s32 s22, $0x1;
	[sflag:s20] =	ssyncadd.s32 $0xFFFF8000  }
.Ltmp1:
0x5a: {  	_ =	swait.ge [sflag:s20], $0x8000;
	(pc) =	sbr.rel @!p0 .LBB2_3-.Ltmp1, $4  }
0x5b: {  	[sflag:s20] =	ssyncset.done $0x0  }
0x5c: {  	[sflag:s20] =	ssyncadd.s32 $0xFFFF8000  }
0x5d: {  	_ =	swait.ge [sflag:s20], $0x8000  }
0x5e: {  	s22 =	sadd.s32 $0xFFFFFFFF, s22;
	[sflag:s20] =	ssyncset.done $0x0  }
.LBB2_2:
0x5f: {  	p0 =	sne.s32 s22, $0x1;
	s22 =	sadd.s32 $0xFFFFFFFF, s22;
	[sflag:s20] =	ssyncadd.s32 $0xFFFF8000  }
0x60: {  	[tilespmem:s2], [sflag:$0x2] =	stream.linear.gather [hbm4b:s3+s2], $0x8000, $0x38;
	[tilespmem:$0x8000] =	vst v63  }
0x61: {  	_ =	swait.ge [sflag:s4], $0x8000  }
0x62: {  	[sflag:s4] =	ssyncset.done $0x0  }
0x63: {  	[sflag:s4] =	ssyncadd.s32 $0xFFFF8000  }
0x64: {  	[hbm4b:s5+s2] =	stream.linear.scatter [tilespmem:s2], [sflag:$0x1], $0x8000, $0x38;
	[tilespmem:$0x8000] =	vst v63  }
0x65: {  	_ = 	snop  }
0x66: {  	[hbm4b:s6+s2] =	stream.linear.scatter [tilespmem:s2], [sflag:$0x1], $0x8000, $0x38;
	[tilespmem:$0x8000] =	vst v63  }
0x67: {  	_ = 	snop  }
0x68: {  	[hbm4b:s7+s2] =	stream.linear.scatter [tilespmem:s2], [sflag:$0x1], $0x8000, $0x38;
	[tilespmem:$0x8000] =	vst v63  }
0x69: {  	_ = 	snop  }
0x6a: {  	[hbm4b:s8+s2] =	stream.linear.scatter [tilespmem:s2], [sflag:$0x1], $0x8000, $0x38;
	[tilespmem:$0x8000] =	vst v63  }
0x6b: {  	_ = 	snop  }
0x6c: {  	[hbm4b:s9+s2] =	stream.linear.scatter [tilespmem:s2], [sflag:$0x1], $0x8000, $0x38;
	[tilespmem:$0x8000] =	vst v63  }
0x6d: {  	_ = 	snop  }
0x6e: {  	[hbm4b:s10+s2] =	stream.linear.scatter [tilespmem:s2], [sflag:$0x1], $0x8000, $0x38;
	[tilespmem:$0x8000] =	vst v63  }
0x6f: {  	_ = 	snop  }
0x70: {  	[hbm4b:s11+s2] =	stream.linear.scatter [tilespmem:s2], [sflag:$0x1], $0x8000, $0x38;
	[tilespmem:$0x8000] =	vst v63  }
0x71: {  	_ = 	snop  }
0x72: {  	[hbm4b:s12+s2] =	stream.linear.scatter [tilespmem:s2], [sflag:$0x1], $0x8000, $0x38;
	[tilespmem:$0x8000] =	vst v63  }
0x73: {  	_ = 	snop  }
0x74: {  	[hbm4b:s13+s2] =	stream.linear.scatter [tilespmem:s2], [sflag:$0x1], $0x8000, $0x38;
	[tilespmem:$0x8000] =	vst v63  }
0x75: {  	_ = 	snop  }
0x76: {  	[hbm4b:s14+s2] =	stream.linear.scatter [tilespmem:s2], [sflag:$0x1], $0x8000, $0x38;
	[tilespmem:$0x8000] =	vst v63  }
0x77: {  	_ = 	snop  }
0x78: {  	[hbm4b:s15+s2] =	stream.linear.scatter [tilespmem:s2], [sflag:$0x1], $0x8000, $0x38;
	[tilespmem:$0x8000] =	vst v63  }
0x79: {  	_ = 	snop  }
0x7a: {  	[hbm4b:s16+s2] =	stream.linear.scatter [tilespmem:s2], [sflag:$0x1], $0x8000, $0x38;
	[tilespmem:$0x8000] =	vst v63  }
0x7b: {  	_ = 	snop  }
0x7c: {  	[hbm4b:s17+s2] =	stream.linear.scatter [tilespmem:s2], [sflag:$0x1], $0x8000, $0x38;
	[tilespmem:$0x8000] =	vst v63  }
0x7d: {  	_ = 	snop  }
0x7e: {  	[hbm4b:s18+s2] =	stream.linear.scatter [tilespmem:s2], [sflag:$0x1], $0x8000, $0x38;
	[tilespmem:$0x8000] =	vst v63  }
0x7f: {  	_ = 	snop  }
0x80: {  	[hbm4b:s19+s2] =	stream.linear.scatter [tilespmem:s2], [sflag:$0x1], $0x8000, $0x38;
	[tilespmem:$0x8000] =	vst v63  }
0x81: {  	_ = 	snop  }
0x82: {  	[hbm4b:s21+s2] =	stream.linear.scatter [tilespmem:s2], [sflag:$0x1], $0x8000, $0x38;
	[tilespmem:$0x8000] =	vst v63  }
0x83: {  	_ =	swait.ge [sflag:s20], $0x8000  }
0x84: {  	[sflag:s20] =	ssyncset.done $0x0  }
0x85: {  	[sflag:s20] =	ssyncadd.s32 $0xFFFF8000  }
0x86: {  	_ =	swait.ge [sflag:s20], $0x8000  }
0x87: {  	[sflag:s20] =	ssyncset.done $0x0  }
0x88: {  	[sflag:s20] =	ssyncadd.s32 $0xFFFF8000  }
0x89: {  	_ =	swait.ge [sflag:s20], $0x8000  }
0x8a: {  	[sflag:s20] =	ssyncset.done $0x0  }
0x8b: {  	[sflag:s20] =	ssyncadd.s32 $0xFFFF8000  }
0x8c: {  	_ =	swait.ge [sflag:s20], $0x8000  }
0x8d: {  	[sflag:s20] =	ssyncset.done $0x0  }
0x8e: {  	[sflag:s20] =	ssyncadd.s32 $0xFFFF8000  }
0x8f: {  	_ =	swait.ge [sflag:s20], $0x8000  }
0x90: {  	[sflag:s20] =	ssyncset.done $0x0  }
0x91: {  	[sflag:s20] =	ssyncadd.s32 $0xFFFF8000  }
0x92: {  	_ =	swait.ge [sflag:s20], $0x8000  }
0x93: {  	[sflag:s20] =	ssyncset.done $0x0  }
0x94: {  	[sflag:s20] =	ssyncadd.s32 $0xFFFF8000  }
0x95: {  	_ =	swait.ge [sflag:s20], $0x8000  }
0x96: {  	[sflag:s20] =	ssyncset.done $0x0  }
0x97: {  	[sflag:s20] =	ssyncadd.s32 $0xFFFF8000  }
0x98: {  	_ =	swait.ge [sflag:s20], $0x8000  }
0x99: {  	[sflag:s20] =	ssyncset.done $0x0  }
0x9a: {  	[sflag:s20] =	ssyncadd.s32 $0xFFFF8000  }
0x9b: {  	_ =	swait.ge [sflag:s20], $0x8000  }
0x9c: {  	[sflag:s20] =	ssyncset.done $0x0  }
0x9d: {  	[sflag:s20] =	ssyncadd.s32 $0xFFFF8000  }
0x9e: {  	_ =	swait.ge [sflag:s20], $0x8000  }
0x9f: {  	[sflag:s20] =	ssyncset.done $0x0  }
0xa0: {  	[sflag:s20] =	ssyncadd.s32 $0xFFFF8000  }
0xa1: {  	_ =	swait.ge [sflag:s20], $0x8000  }
0xa2: {  	[sflag:s20] =	ssyncset.done $0x0  }
0xa3: {  	[sflag:s20] =	ssyncadd.s32 $0xFFFF8000  }
0xa4: {  	_ =	swait.ge [sflag:s20], $0x8000  }
0xa5: {  	[sflag:s20] =	ssyncset.done $0x0  }
0xa6: {  	[sflag:s20] =	ssyncadd.s32 $0xFFFF8000  }
0xa7: {  	_ =	swait.ge [sflag:s20], $0x8000  }
0xa8: {  	[sflag:s20] =	ssyncset.done $0x0  }
0xa9: {  	[sflag:s20] =	ssyncadd.s32 $0xFFFF8000  }
0xaa: {  	_ =	swait.ge [sflag:s20], $0x8000  }
0xab: {  	[sflag:s20] =	ssyncset.done $0x0  }
0xac: {  	[sflag:s20] =	ssyncadd.s32 $0xFFFF8000  }
.Ltmp2:
0xad: {  	_ =	swait.ge [sflag:s20], $0x8000;
	(pc) =	sbr.rel @p0 .LBB2_2-.Ltmp2, $4  }
0xae: {  	[sflag:s20] =	ssyncset.done $0x0  }
0xaf: {  	[sflag:s20] =	ssyncadd.s32 $0xFFFF8000  }
0xb0: {  	_ =	swait.ge [sflag:s20], $0x8000  }
0xb1: {  	[sflag:s20] =	ssyncset.done $0x0  }
.LBB2_3:
0xb2: {  	[sflag:s20] =	ssyncadd.s32 $0xFFFF8000  }
.LBB2_4:
0xb3: {  	_ =	sfence.sel $0x180000  }
0xb4: {  	[bflag:$0x0] =	sbarrier.arrive $0xFFFF  }
0xb5: {  	p0 =	sne.s32 s1, $0x0;
	_ =	strace $0x90000047  }
0xb6: {  	s0 =	sadd.s32 @!p0 $0x100000, s0;
	[bflag:$0x2] =	sbarrier.arrive $0xFFFF  }
0xb7: {  	[sflag:s0] =	ssyncadd.tile.s32 @!p0 $0x1;
	_ =	shalt  }
.Lfunc_end2:
_tile_overlayer_lowered:
.L_overlay_start_2:
0xb8: {  	(tag) =	ssettag $0x2  }
0xb9: {  	s0 =	rddreg [dreg:$0x0];
	s2 =	stileid.u32  }
0xba: {  	s1 =	rddreg [dreg:$0x1];
	p0 =	sne.s32 s2, $0x0  }
0xbb: {  	s3 =	rddreg [dreg:$0x2];
	[bflag:$0x3] =	sbarrier.arrive $0xFFFF;
	s2 =	simm.s32 @!p0 $0x1C02  }
0xbc: {  	[timem:s3], [sflag:s2] =	dma.local @!p0 [hbm:s0], s1  }
0xbd: {  	s0 =	simm.s32 @!p0 $0x2  }
0xbe: {  	_ =	swait.ge @!p0 [sflag:s0], s1  }
0xbf: {  	s1 =	ssub.s32 @!p0 $0x0, s1;
	[sflag:s0] =	ssyncset.done @!p0 $0x0  }
0xc0: {  	[sflag:s0] =	ssyncadd.s32 @!p0 s1  }
0xc1: {  	[bflag:$0x3] =	sbarrier.arrive $0xFFFF  }
0xc2: {  	_ =	shalt  }

</sc_bundles>
